<compile_context>
chip_gen: v7x
topology: tpu7x:2x2x1
jax: 0.10.2.dev20260603
libtpu: 0.0.44.dev20260713+nightly
codegen_flags: <defaults>
</compile_context>

<pallas_src>
import jax
import jax.numpy as jnp
from jax import lax
from jax.experimental import pallas as pl
from jax.experimental.pallas import tpu as pltpu
from jax.experimental.pallas import tpu_sc as plsc

N = 512
NS = 16
L = 16
CHUNK = N // NS


def _sc_body(x_hbm, map_hbm, out_idx_hbm, out_val_hbm,
             ovsh, oish, x2, mine_map, rank_v, sem, sem2):
    s = lax.axis_index("s")
    base = s * CHUNK

    mcp = pltpu.async_copy(map_hbm.at[pl.ds(base, CHUNK)], mine_map, sem2)
    pltpu.async_copy(x_hbm, x2.at[pl.ds(0, N)], sem).wait()
    x2[pl.ds(N, L)] = x2[pl.ds(0, L)]

    iota = lax.iota(jnp.int32, L)
    g1 = iota + base
    g2 = g1 + L
    m1 = x2[pl.ds(base, L)]
    m2 = x2[pl.ds(base + L, L)]

    def step(k, carry):
        r1, r2, jvec = carry
        wnd = x2[pl.ds(k, L)]
        jw = jvec & (N - 1)
        b1 = (wnd > m1) | ((wnd == m1) & (jw < g1))
        b2 = (wnd > m2) | ((wnd == m2) & (jw < g2))
        return (r1 + jnp.where(b1, 1, 0), r2 + jnp.where(b2, 1, 0),
                jvec + 1)

    zeros = jnp.zeros((L,), jnp.int32)
    r1, r2, _ = lax.fori_loop(0, N, step, (zeros, zeros, iota), unroll=4)
    rank_v[pl.ds(0, L)] = r1
    rank_v[pl.ds(L, L)] = r2
    mcp.wait()

    sc1 = pltpu.async_copy(x2.at[pl.ds(base, CHUNK)], ovsh.at[rank_v], sem)
    sc2 = pltpu.async_copy(mine_map, oish.at[rank_v], sem)
    sc1.wait()
    sc2.wait()
    plsc.subcore_barrier()

    @pl.when(s == 0)
    def _():
        wb1 = pltpu.async_copy(ovsh, out_val_hbm, sem)
        wb2 = pltpu.async_copy(oish, out_idx_hbm, sem)
        wb1.wait()
        wb2.wait()


@jax.jit
def _sc_sort(x, map_arr):
    call = pl.kernel(
        _sc_body,
        out_type=(
            jax.ShapeDtypeStruct((N,), jnp.int32),
            jax.ShapeDtypeStruct((N,), jnp.float32),
        ),
        mesh=plsc.VectorSubcoreMesh(
            core_axis_name="c", subcore_axis_name="s", num_cores=1
        ),
        compiler_params=pltpu.CompilerParams(needs_layout_passes=False),
        scratch_types=(
            pltpu.VMEM_SHARED((N,), jnp.float32),
            pltpu.VMEM_SHARED((N,), jnp.int32),
            pltpu.VMEM((N + L,), jnp.float32),
            pltpu.VMEM((CHUNK,), jnp.int32),
            pltpu.VMEM((CHUNK,), jnp.int32),
            pltpu.SemaphoreType.DMA,
            pltpu.SemaphoreType.DMA,
        ),
    )
    return call(x, map_arr)


def kernel(input, map_arr):
    return _sc_sort(input, map_arr)

# --- scband reference (transcript-rebuilt; emitter-appended) ---
"""Pipeline reference for scband-mapper-32263794328218 (READ-ONLY COPY).

The authoritative reference and input builder live on the scoring server;
editing this copy changes nothing except your own understanding.
"""

import jax, jax.numpy as jnp
import numpy as np

N = 512

def setup_inputs(seed: int = 0):
    key = jax.random.key(seed)
    x = jax.random.normal(key, (N,), dtype=jnp.float32)
    map_arr = jnp.arange(N, dtype=jnp.int32)
    return {"input": x, "map_arr": map_arr}

def reference(input, map_arr):
    # tf.argsort(input, direction='DESCENDING') -> argsort of negated values
    sorted_i = jnp.argsort(-input)
    values = jnp.take(input, sorted_i)
    indexes = jnp.take(map_arr, sorted_i)
    return (indexes, values)

if __name__ == "__main__":
    import jax
    _d = setup_inputs()
    print(jax.jit(kernel)(*tuple(_d.values())))

</pallas_src>

<mosaic_0001>
#map = affine_map<(d0, d1) -> (0)>
module attributes {stable_mosaic.version = 14 : i64} {
  func.func @_sc_body(%arg0: i32, %arg1: i32, %arg2: memref<512xf32, #tpu.memory_space<hbm>>, %arg3: memref<512xi32, #tpu.memory_space<hbm>>, %arg4: memref<512xi32, #tpu.memory_space<hbm>>, %arg5: memref<512xf32, #tpu.memory_space<hbm>>, %arg6: memref<512xf32, #tpu.memory_space<vmem_shared>>, %arg7: memref<512xi32, #tpu.memory_space<vmem_shared>>, %arg8: memref<528xf32, #tpu.memory_space<vmem>>, %arg9: memref<32xi32, #tpu.memory_space<vmem>>, %arg10: memref<32xi32, #tpu.memory_space<vmem>>, %arg11: memref<!tpu.dma_semaphore, #tpu.memory_space<semaphore_mem>>, %arg12: memref<!tpu.dma_semaphore, #tpu.memory_space<semaphore_mem>>) attributes {dimension_semantics = [#tpu.dimension_semantics<core_parallel>, #tpu.dimension_semantics<subcore_parallel>], iteration_bounds = array<i64: 1, 16>, scalar_prefetch = 0 : i64, scratch_operands = 7 : i64, tpu.core_type = #tpu.core_type<sc_vector_subcore>, window_params = [{transform_indices = #map}, {transform_indices = #map}, {transform_indices = #map}, {transform_indices = #map}]} {
    %mul3A = arith.constant 32 : i32
    %mul3A_0 = arith.muli %arg1, %mul3A : i32
    %dma_start3A = tpu.memref_slice %arg3[%mul3A_0] : memref<512xi32, #tpu.memory_space<hbm>> -> memref<32xi32, #tpu.memory_space<hbm>>
    %dma_start3A_1 = tpu.memref_slice %arg3[%mul3A_0] : memref<512xi32, #tpu.memory_space<hbm>> -> memref<32xi32, #tpu.memory_space<hbm>>
    tpu.enqueue_dma source(%dma_start3A_1 : memref<32xi32, #tpu.memory_space<hbm>>) target(%arg9 : memref<32xi32, #tpu.memory_space<vmem>>) target_semaphore(%arg12 : memref<!tpu.dma_semaphore, #tpu.memory_space<semaphore_mem>>)
    %dma_start3A_2 = arith.constant 0 : i32
    %dma_start3A_3 = tpu.memref_slice %arg8[%dma_start3A_2] : memref<528xf32, #tpu.memory_space<vmem>> -> memref<512xf32, #tpu.memory_space<vmem>>
    %dma_start3A_4 = arith.constant 0 : i32
    %dma_start3A_5 = tpu.memref_slice %arg8[%dma_start3A_4] : memref<528xf32, #tpu.memory_space<vmem>> -> memref<512xf32, #tpu.memory_space<vmem>>
    tpu.enqueue_dma source(%arg2 : memref<512xf32, #tpu.memory_space<hbm>>) target(%dma_start3A_5 : memref<512xf32, #tpu.memory_space<vmem>>) target_semaphore(%arg11 : memref<!tpu.dma_semaphore, #tpu.memory_space<semaphore_mem>>)
    %dma_wait3A = arith.constant 0 : i32
    %dma_wait3A_6 = tpu.memref_slice %arg8[%dma_wait3A] : memref<528xf32, #tpu.memory_space<vmem>> -> memref<512xf32, #tpu.memory_space<vmem>>
    %dma_wait3A_7 = arith.constant 0 : i32
    %dma_wait3A_8 = tpu.memref_slice %arg8[%dma_wait3A_7] : memref<528xf32, #tpu.memory_space<vmem>> -> memref<512xf32, #tpu.memory_space<vmem>>
    tpu.wait_dma2 semaphore(%arg11 : memref<!tpu.dma_semaphore, #tpu.memory_space<semaphore_mem>>) src(%arg2 : memref<512xf32, #tpu.memory_space<hbm>>) dst(%dma_wait3A_8 : memref<512xf32, #tpu.memory_space<vmem>>)
    %get3A = arith.constant 0 : index
    %get3A_9 = tpu.vector_load %arg8[%get3A] {strides = array<i32>} : memref<528xf32, #tpu.memory_space<vmem>>, vector<16xf32>,
    %swap3A = arith.constant 512 : index
    %swap3A_10 = tpu.vector_load %arg8[%swap3A] {strides = array<i32>} : memref<528xf32, #tpu.memory_space<vmem>>, vector<16xf32>,
    tpu.vector_store %arg8[%swap3A], %get3A_9 {strides = array<i32>} : memref<528xf32, #tpu.memory_space<vmem>>, vector<16xf32>,
    %iota3A = tpu.iota {dimensions = array<i32: 0>} : vector<16xi32>
    %add3A = vector.broadcast %mul3A_0 : i32 to vector<16xi32>
    %add3A_11 = arith.addi %iota3A, %add3A : vector<16xi32>
    %add3A_12 = arith.constant 16 : i32
    %add3A_13 = vector.broadcast %add3A_12 : i32 to vector<16xi32>
    %add3A_14 = arith.addi %add3A_11, %add3A_13 : vector<16xi32>
    %get3A_15 = arith.index_cast %mul3A_0 : i32 to index
    %get3A_16 = tpu.vector_load %arg8[%get3A_15] {strides = array<i32>} : memref<528xf32, #tpu.memory_space<vmem>>, vector<16xf32>,
    %add3A_17 = arith.constant 16 : i32
    %add3A_18 = arith.addi %mul3A_0, %add3A_17 : i32
    %get3A_19 = arith.index_cast %add3A_18 : i32 to index
    %get3A_20 = tpu.vector_load %arg8[%get3A_19] {strides = array<i32>} : memref<528xf32, #tpu.memory_space<vmem>>, vector<16xf32>,
    %broadcast_in_dim3A = arith.constant 0 : i32
    %broadcast_in_dim3A_21 = vector.broadcast %broadcast_in_dim3A : i32 to vector<16xi32>
    %scan3A = arith.constant 0 : i32
    %scan3A_22 = arith.constant 512 : i32
    %scan3A_23 = arith.addi %scan3A, %scan3A_22 : i32
    %scan3A_24 = arith.constant 4 : i32
    %scan3A_25:3 = scf.for %scan3A_45 = %scan3A to %scan3A_23 step %scan3A_24 iter_args(%scan3A_46 = %broadcast_in_dim3A_21, %scan3A_47 = %broadcast_in_dim3A_21, %scan3A_48 = %iota3A) -> (vector<16xi32>, vector<16xi32>, vector<16xi32>)  : i32 {
      %get3A_49 = arith.index_cast %scan3A_45 : i32 to index
      %get3A_50 = tpu.vector_load %arg8[%get3A_49] {strides = array<i32>} : memref<528xf32, #tpu.memory_space<vmem>>, vector<16xf32>,
      %and3A = arith.constant 511 : i32
      %and3A_51 = vector.broadcast %and3A : i32 to vector<16xi32>
      %and3A_52 = arith.andi %scan3A_48, %and3A_51 : vector<16xi32>
      %gt3A = arith.cmpf ogt, %get3A_50, %get3A_16 : vector<16xf32>
      %eq3A_53 = arith.cmpf oeq, %get3A_50, %get3A_16 : vector<16xf32>
      %lt3A = arith.cmpi slt, %and3A_52, %add3A_11 : vector<16xi32>
      %and3A_54 = arith.andi %eq3A_53, %lt3A : vector<16xi1>
      %or3A = arith.ori %gt3A, %and3A_54 : vector<16xi1>
      %gt3A_55 = arith.cmpf ogt, %get3A_50, %get3A_20 : vector<16xf32>
      %eq3A_56 = arith.cmpf oeq, %get3A_50, %get3A_20 : vector<16xf32>
      %lt3A_57 = arith.cmpi slt, %and3A_52, %add3A_14 : vector<16xi32>
      %and3A_58 = arith.andi %eq3A_56, %lt3A_57 : vector<16xi1>
      %or3A_59 = arith.ori %gt3A_55, %and3A_58 : vector<16xi1>
      %jit3A = arith.constant 1 : i32
      %jit3A_60 = arith.constant 0 : i32
      %broadcast_in_dim3A_61 = vector.broadcast %jit3A : i32 to vector<16xi32>
      %broadcast_in_dim3A_62 = vector.broadcast %jit3A_60 : i32 to vector<16xi32>
      %select_n3A = arith.select %or3A, %broadcast_in_dim3A_61, %broadcast_in_dim3A_62 : vector<16xi1>, vector<16xi32>
      %add3A_63 = arith.addi %scan3A_46, %select_n3A : vector<16xi32>
      %jit3A_64 = arith.constant 1 : i32
      %jit3A_65 = arith.constant 0 : i32
      %broadcast_in_dim3A_66 = vector.broadcast %jit3A_64 : i32 to vector<16xi32>
      %broadcast_in_dim3A_67 = vector.broadcast %jit3A_65 : i32 to vector<16xi32>
      %select_n3A_68 = arith.select %or3A_59, %broadcast_in_dim3A_66, %broadcast_in_dim3A_67 : vector<16xi1>, vector<16xi32>
      %add3A_69 = arith.addi %scan3A_47, %select_n3A_68 : vector<16xi32>
      %add3A_70 = arith.constant 1 : i32
      %add3A_71 = vector.broadcast %add3A_70 : i32 to vector<16xi32>
      %add3A_72 = arith.addi %scan3A_48, %add3A_71 : vector<16xi32>
      %scan3A_73 = arith.constant 1 : i32
      %scan3A_74 = arith.addi %scan3A_45, %scan3A_73 : i32
      %get3A_75 = arith.index_cast %scan3A_74 : i32 to index
      %get3A_76 = tpu.vector_load %arg8[%get3A_75] {strides = array<i32>} : memref<528xf32, #tpu.memory_space<vmem>>, vector<16xf32>,
      %and3A_77 = arith.constant 511 : i32
      %and3A_78 = vector.broadcast %and3A_77 : i32 to vector<16xi32>
      %and3A_79 = arith.andi %add3A_72, %and3A_78 : vector<16xi32>
      %gt3A_80 = arith.cmpf ogt, %get3A_76, %get3A_16 : vector<16xf32>
      %eq3A_81 = arith.cmpf oeq, %get3A_76, %get3A_16 : vector<16xf32>
      %lt3A_82 = arith.cmpi slt, %and3A_79, %add3A_11 : vector<16xi32>
      %and3A_83 = arith.andi %eq3A_81, %lt3A_82 : vector<16xi1>
      %or3A_84 = arith.ori %gt3A_80, %and3A_83 : vector<16xi1>
      %gt3A_85 = arith.cmpf ogt, %get3A_76, %get3A_20 : vector<16xf32>
      %eq3A_86 = arith.cmpf oeq, %get3A_76, %get3A_20 : vector<16xf32>
      %lt3A_87 = arith.cmpi slt, %and3A_79, %add3A_14 : vector<16xi32>
      %and3A_88 = arith.andi %eq3A_86, %lt3A_87 : vector<16xi1>
      %or3A_89 = arith.ori %gt3A_85, %and3A_88 : vector<16xi1>
      %jit3A_90 = arith.constant 1 : i32
      %jit3A_91 = arith.constant 0 : i32
      %broadcast_in_dim3A_92 = vector.broadcast %jit3A_90 : i32 to vector<16xi32>
      %broadcast_in_dim3A_93 = vector.broadcast %jit3A_91 : i32 to vector<16xi32>
      %select_n3A_94 = arith.select %or3A_84, %broadcast_in_dim3A_92, %broadcast_in_dim3A_93 : vector<16xi1>, vector<16xi32>
      %add3A_95 = arith.addi %add3A_63, %select_n3A_94 : vector<16xi32>
      %jit3A_96 = arith.constant 1 : i32
      %jit3A_97 = arith.constant 0 : i32
      %broadcast_in_dim3A_98 = vector.broadcast %jit3A_96 : i32 to vector<16xi32>
      %broadcast_in_dim3A_99 = vector.broadcast %jit3A_97 : i32 to vector<16xi32>
      %select_n3A_100 = arith.select %or3A_89, %broadcast_in_dim3A_98, %broadcast_in_dim3A_99 : vector<16xi1>, vector<16xi32>
      %add3A_101 = arith.addi %add3A_69, %select_n3A_100 : vector<16xi32>
      %add3A_102 = arith.constant 1 : i32
      %add3A_103 = vector.broadcast %add3A_102 : i32 to vector<16xi32>
      %add3A_104 = arith.addi %add3A_72, %add3A_103 : vector<16xi32>
      %scan3A_105 = arith.constant 2 : i32
      %scan3A_106 = arith.addi %scan3A_45, %scan3A_105 : i32
      %get3A_107 = arith.index_cast %scan3A_106 : i32 to index
      %get3A_108 = tpu.vector_load %arg8[%get3A_107] {strides = array<i32>} : memref<528xf32, #tpu.memory_space<vmem>>, vector<16xf32>,
      %and3A_109 = arith.constant 511 : i32
      %and3A_110 = vector.broadcast %and3A_109 : i32 to vector<16xi32>
      %and3A_111 = arith.andi %add3A_104, %and3A_110 : vector<16xi32>
      %gt3A_112 = arith.cmpf ogt, %get3A_108, %get3A_16 : vector<16xf32>
      %eq3A_113 = arith.cmpf oeq, %get3A_108, %get3A_16 : vector<16xf32>
      %lt3A_114 = arith.cmpi slt, %and3A_111, %add3A_11 : vector<16xi32>
      %and3A_115 = arith.andi %eq3A_113, %lt3A_114 : vector<16xi1>
      %or3A_116 = arith.ori %gt3A_112, %and3A_115 : vector<16xi1>
      %gt3A_117 = arith.cmpf ogt, %get3A_108, %get3A_20 : vector<16xf32>
      %eq3A_118 = arith.cmpf oeq, %get3A_108, %get3A_20 : vector<16xf32>
      %lt3A_119 = arith.cmpi slt, %and3A_111, %add3A_14 : vector<16xi32>
      %and3A_120 = arith.andi %eq3A_118, %lt3A_119 : vector<16xi1>
      %or3A_121 = arith.ori %gt3A_117, %and3A_120 : vector<16xi1>
      %jit3A_122 = arith.constant 1 : i32
      %jit3A_123 = arith.constant 0 : i32
      %broadcast_in_dim3A_124 = vector.broadcast %jit3A_122 : i32 to vector<16xi32>
      %broadcast_in_dim3A_125 = vector.broadcast %jit3A_123 : i32 to vector<16xi32>
      %select_n3A_126 = arith.select %or3A_116, %broadcast_in_dim3A_124, %broadcast_in_dim3A_125 : vector<16xi1>, vector<16xi32>
      %add3A_127 = arith.addi %add3A_95, %select_n3A_126 : vector<16xi32>
      %jit3A_128 = arith.constant 1 : i32
      %jit3A_129 = arith.constant 0 : i32
      %broadcast_in_dim3A_130 = vector.broadcast %jit3A_128 : i32 to vector<16xi32>
      %broadcast_in_dim3A_131 = vector.broadcast %jit3A_129 : i32 to vector<16xi32>
      %select_n3A_132 = arith.select %or3A_121, %broadcast_in_dim3A_130, %broadcast_in_dim3A_131 : vector<16xi1>, vector<16xi32>
      %add3A_133 = arith.addi %add3A_101, %select_n3A_132 : vector<16xi32>
      %add3A_134 = arith.constant 1 : i32
      %add3A_135 = vector.broadcast %add3A_134 : i32 to vector<16xi32>
      %add3A_136 = arith.addi %add3A_104, %add3A_135 : vector<16xi32>
      %scan3A_137 = arith.constant 3 : i32
      %scan3A_138 = arith.addi %scan3A_45, %scan3A_137 : i32
      %get3A_139 = arith.index_cast %scan3A_138 : i32 to index
      %get3A_140 = tpu.vector_load %arg8[%get3A_139] {strides = array<i32>} : memref<528xf32, #tpu.memory_space<vmem>>, vector<16xf32>,
      %and3A_141 = arith.constant 511 : i32
      %and3A_142 = vector.broadcast %and3A_141 : i32 to vector<16xi32>
      %and3A_143 = arith.andi %add3A_136, %and3A_142 : vector<16xi32>
      %gt3A_144 = arith.cmpf ogt, %get3A_140, %get3A_16 : vector<16xf32>
      %eq3A_145 = arith.cmpf oeq, %get3A_140, %get3A_16 : vector<16xf32>
      %lt3A_146 = arith.cmpi slt, %and3A_143, %add3A_11 : vector<16xi32>
      %and3A_147 = arith.andi %eq3A_145, %lt3A_146 : vector<16xi1>
      %or3A_148 = arith.ori %gt3A_144, %and3A_147 : vector<16xi1>
      %gt3A_149 = arith.cmpf ogt, %get3A_140, %get3A_20 : vector<16xf32>
      %eq3A_150 = arith.cmpf oeq, %get3A_140, %get3A_20 : vector<16xf32>
      %lt3A_151 = arith.cmpi slt, %and3A_143, %add3A_14 : vector<16xi32>
      %and3A_152 = arith.andi %eq3A_150, %lt3A_151 : vector<16xi1>
      %or3A_153 = arith.ori %gt3A_149, %and3A_152 : vector<16xi1>
      %jit3A_154 = arith.constant 1 : i32
      %jit3A_155 = arith.constant 0 : i32
      %broadcast_in_dim3A_156 = vector.broadcast %jit3A_154 : i32 to vector<16xi32>
      %broadcast_in_dim3A_157 = vector.broadcast %jit3A_155 : i32 to vector<16xi32>
      %select_n3A_158 = arith.select %or3A_148, %broadcast_in_dim3A_156, %broadcast_in_dim3A_157 : vector<16xi1>, vector<16xi32>
      %add3A_159 = arith.addi %add3A_127, %select_n3A_158 : vector<16xi32>
      %jit3A_160 = arith.constant 1 : i32
      %jit3A_161 = arith.constant 0 : i32
      %broadcast_in_dim3A_162 = vector.broadcast %jit3A_160 : i32 to vector<16xi32>
      %broadcast_in_dim3A_163 = vector.broadcast %jit3A_161 : i32 to vector<16xi32>
      %select_n3A_164 = arith.select %or3A_153, %broadcast_in_dim3A_162, %broadcast_in_dim3A_163 : vector<16xi1>, vector<16xi32>
      %add3A_165 = arith.addi %add3A_133, %select_n3A_164 : vector<16xi32>
      %add3A_166 = arith.constant 1 : i32
      %add3A_167 = vector.broadcast %add3A_166 : i32 to vector<16xi32>
      %add3A_168 = arith.addi %add3A_136, %add3A_167 : vector<16xi32>
      scf.yield %add3A_159, %add3A_165, %add3A_168 : vector<16xi32>, vector<16xi32>, vector<16xi32>
    }
    %scan3A_26 = arith.constant 512 : i32
    %swap3A_27 = arith.constant 0 : index
    %swap3A_28 = tpu.vector_load %arg10[%swap3A_27] {strides = array<i32>} : memref<32xi32, #tpu.memory_space<vmem>>, vector<16xi32>,
    tpu.vector_store %arg10[%swap3A_27], %scan3A_25#0 {strides = array<i32>} : memref<32xi32, #tpu.memory_space<vmem>>, vector<16xi32>,
    %swap3A_29 = arith.constant 16 : index
    %swap3A_30 = tpu.vector_load %arg10[%swap3A_29] {strides = array<i32>} : memref<32xi32, #tpu.memory_space<vmem>>, vector<16xi32>,
    tpu.vector_store %arg10[%swap3A_29], %scan3A_25#1 {strides = array<i32>} : memref<32xi32, #tpu.memory_space<vmem>>, vector<16xi32>,
    %dma_wait3A_31 = tpu.memref_slice %arg3[%mul3A_0] : memref<512xi32, #tpu.memory_space<hbm>> -> memref<32xi32, #tpu.memory_space<hbm>>
    %dma_wait3A_32 = tpu.memref_slice %arg3[%mul3A_0] : memref<512xi32, #tpu.memory_space<hbm>> -> memref<32xi32, #tpu.memory_space<hbm>>
    tpu.wait_dma2 semaphore(%arg12 : memref<!tpu.dma_semaphore, #tpu.memory_space<semaphore_mem>>) src(%dma_wait3A_32 : memref<32xi32, #tpu.memory_space<hbm>>) dst(%arg9 : memref<32xi32, #tpu.memory_space<vmem>>)
    %dma_start3A_33 = tpu.memref_slice %arg8[%mul3A_0] : memref<528xf32, #tpu.memory_space<vmem>> -> memref<32xf32, #tpu.memory_space<vmem>>
    %dma_start3A_34 = arith.constant 0 : i32
    %dma_start3A_35 = tpu.memref_slice %arg6[%dma_start3A_34] : memref<512xf32, #tpu.memory_space<vmem_shared>> -> memref<512xf32, #tpu.memory_space<vmem_shared>>
    tpu.enqueue_indirect_dma source(%dma_start3A_33 : memref<32xf32, #tpu.memory_space<vmem>>) target(%dma_start3A_35 : memref<512xf32, #tpu.memory_space<vmem_shared>>) offsets(%arg10 : memref<32xi32, #tpu.memory_space<vmem>>) semaphore(%arg11 : memref<!tpu.dma_semaphore, #tpu.memory_space<semaphore_mem>>)
    %dma_start3A_36 = arith.constant 0 : i32
    %dma_start3A_37 = tpu.memref_slice %arg7[%dma_start3A_36] : memref<512xi32, #tpu.memory_space<vmem_shared>> -> memref<512xi32, #tpu.memory_space<vmem_shared>>
    tpu.enqueue_indirect_dma source(%arg9 : memref<32xi32, #tpu.memory_space<vmem>>) target(%dma_start3A_37 : memref<512xi32, #tpu.memory_space<vmem_shared>>) offsets(%arg10 : memref<32xi32, #tpu.memory_space<vmem>>) semaphore(%arg11 : memref<!tpu.dma_semaphore, #tpu.memory_space<semaphore_mem>>)
    %dma_wait3A_38 = tpu.memref_slice %arg8[%mul3A_0] : memref<528xf32, #tpu.memory_space<vmem>> -> memref<32xf32, #tpu.memory_space<vmem>>
    %dma_wait3A_39 = arith.constant 0 : i32
    %dma_wait3A_40 = tpu.memref_slice %arg6[%dma_wait3A_39] : memref<512xf32, #tpu.memory_space<vmem_shared>> -> memref<512xf32, #tpu.memory_space<vmem_shared>>
    tpu.wait_indirect_dma semaphore(%arg11 : memref<!tpu.dma_semaphore, #tpu.memory_space<semaphore_mem>>) src(%dma_wait3A_38 : memref<32xf32, #tpu.memory_space<vmem>>) dst(%dma_wait3A_40 : memref<512xf32, #tpu.memory_space<vmem_shared>>)
    %dma_wait3A_41 = arith.constant 0 : i32
    %dma_wait3A_42 = tpu.memref_slice %arg7[%dma_wait3A_41] : memref<512xi32, #tpu.memory_space<vmem_shared>> -> memref<512xi32, #tpu.memory_space<vmem_shared>>
    tpu.wait_indirect_dma semaphore(%arg11 : memref<!tpu.dma_semaphore, #tpu.memory_space<semaphore_mem>>) src(%arg9 : memref<32xi32, #tpu.memory_space<vmem>>) dst(%dma_wait3A_42 : memref<512xi32, #tpu.memory_space<vmem_shared>>)
    %barrier3A = arith.constant 0 : index
    tpu.barrier barrier_id(%barrier3A)
    %eq3A = arith.constant 0 : i32
    %eq3A_43 = arith.cmpi eq, %arg1, %eq3A : i32
    %convert_element_type3A = arith.extui %eq3A_43 : i1 to i32
    %cond3A = arith.constant 0 : i32
    %cond3A_44 = arith.cmpi ne, %convert_element_type3A, %cond3A : i32
    scf.if %cond3A_44 {
      tpu.enqueue_dma source(%arg6 : memref<512xf32, #tpu.memory_space<vmem_shared>>) target(%arg5 : memref<512xf32, #tpu.memory_space<hbm>>) target_semaphore(%arg11 : memref<!tpu.dma_semaphore, #tpu.memory_space<semaphore_mem>>)
      tpu.enqueue_dma source(%arg7 : memref<512xi32, #tpu.memory_space<vmem_shared>>) target(%arg4 : memref<512xi32, #tpu.memory_space<hbm>>) target_semaphore(%arg11 : memref<!tpu.dma_semaphore, #tpu.memory_space<semaphore_mem>>)
      tpu.wait_dma2 semaphore(%arg11 : memref<!tpu.dma_semaphore, #tpu.memory_space<semaphore_mem>>) src(%arg6 : memref<512xf32, #tpu.memory_space<vmem_shared>>) dst(%arg5 : memref<512xf32, #tpu.memory_space<hbm>>)
      tpu.wait_dma2 semaphore(%arg11 : memref<!tpu.dma_semaphore, #tpu.memory_space<semaphore_mem>>) src(%arg7 : memref<512xi32, #tpu.memory_space<vmem_shared>>) dst(%arg4 : memref<512xi32, #tpu.memory_space<hbm>>)
    } else {
    }
    return
  }
}

</mosaic_0001>

<sc_bundles>
// kernel: _sc_sort.3.cloned.1.call-start
scs
__scs_entry_jumppad:
0x0: {  	(pc) =	sbr.rel $0x88, $3  }
0x1: {  	(tag) =	ssettag $0x0;
	lr =	simm.s32 $0x1  }
0x2: {  	[smem:$0x3F9F] =	sst lr;
	_ =	strace $0xD0000000  }
0x3: {  	_ = 	snop  }
0x4: {  	_ = 	snop  }
0x5: {  	_ = 	snop  }
0x6: {  	_ = 	snop  }
0x7: {  	_ = 	snop  }
__scs_overlays_trampoline_lowered:
0x8: {  	[smem:$0x3FAE] =	sst s0  }
0x9: {  	[smem:$0x3FAF] =	sst s1  }
0xa: {  	[smem:$0x3FB0] =	sst s2  }
0xb: {  	[smem:$0x3FB1] =	sst s3  }
0xc: {  	[smem:$0x3FB2] =	sst s4  }
0xd: {  	[smem:$0x3FB3] =	sst s5  }
0xe: {  	[smem:$0x3FB4] =	sst s6  }
0xf: {  	[smem:$0x3FB5] =	sst s7  }
0x10: {  	[smem:$0x3FB6] =	sst s8  }
0x11: {  	[smem:$0x3FB7] =	sst s9;
	s0 =	simm.s32 @!p0 $0x0  }
0x12: {  	s1 =	sld [smem:$0x3F9D];
	s0 =	simm.s32 @p0 $0x1  }
0x13: {  	[smem:$0x3FB8] =	sst s0;
	s0 =	simm.s32 @!p1 $0x0  }
0x14: {  	s2 =	sld [smem:$0x3F9C];
	s0 =	simm.s32 @p1 $0x1  }
0x15: {  	[smem:$0x3FB9] =	sst s0;
	s0 =	simm.s32 @!p2 $0x0  }
0x16: {  	s3 =	sld [smem:$0x3FDB];
	s0 =	simm.s32 @p2 $0x1  }
0x17: {  	s4 =	simm.s32 $0x1BF5;
	[smem:$0x3FBB] =	sst s0  }
0x18: {  	s0 =	sld [smem:$0x3F9E];
	_ =	swait.ge [sflag:s4], $0x0  }
0x19: {  	s7 =	sld [smem:$0x3F9F]  }
0x1a: {  	s8 =	sadd.s32 $0xFFFFE003, lr  }
0x1b: {  	s9 =	sadd.s32 $0xFFFFFEF7, lr;
	s5 =	simm.s32 $0xFFFFFFFF;
	p2 =	slt.u32 s8, $0xFFFFF086  }
0x1c: {  	p1 =	slt.u32 s9, $0xF7A;
	s5 =	simm.s32 @!p2 $0x0  }
0x1d: {  	s5 =	simm.s32 @p1 $0x1;
	p0 =	seq.s32 s7, s2  }
0x1e: {  	s7 =	smul.u32 @!p0 $0xF7A, s2;
	p2 =	seq.s32 @!p0 s5, $0x0  }
0x1f: {  	s9 =	smul.u32 $0xF7A, s1;
	s8 =	simm.s32 @!p0 $0x1BF5;
	p2 =	por !p2, p0  }
0x20: {  	[sflag:s8] =	ssyncset.s32 @!p0 $0xFFFFF086;
	s6 =	sadd.s32 @!p0 s3, s7;
	s7 =	simm.s32 @!p0 $0x108  }
0x21: {  	s3 =	sadd.s32 s3, s9;
	s6 =	sadd.s32 @!p0 $0x88, s6;
	s7 =	simm.s32 @p2 $0x1082  }
0x22: {  	[simem:s7], [sflag:s8] =	dma.local @!p0 [hbm:s6], $0xF7A  }
0x23: {  	s9 =	sor.u32 $0xD0000000, s2;
	s6 =	simm.s32 $0x108;
	_ =	swait.ge @!p0 [sflag:s8], $0x0  }
0x24: {  	s3 =	sadd.s32 $0x88, s3;
	s6 =	simm.s32 @!p1 $0x1082;
	[sflag:s4] =	ssyncset.s32 $0xFFFFF086  }
0x25: {  	[simem:s6], [sflag:s4] =	dma.local [hbm:s3], $0xF7A  }
0x26: {  	[smem:$0x3F9F] =	sst s1;
	(tag) =	ssettag s2;
	_ =	strace s9  }
0x27: {  	s1 =	sld [smem:$0x3FAF]  }
0x28: {  	s2 =	sld [smem:$0x3FB0]  }
0x29: {  	s4 =	sld [smem:$0x3FB2]  }
0x2a: {  	p0 =	seq.s32 s5, $0x0;
	s5 =	sld [smem:$0x3FB3]  }
0x2b: {  	s6 =	sld [smem:$0x3FB4]  }
0x2c: {  	s7 =	sld [smem:$0x3FB5]  }
0x2d: {  	s3 =	simm.s32 $0x108;
	s8 =	sld [smem:$0x3FB6]  }
0x2e: {  	s3 =	simm.s32 @!p0 $0x1082;
	s9 =	sld [smem:$0x3FB7]  }
0x2f: {  	lr =	sadd.s32 s0, s3;
	s0 =	sld [smem:$0x3FAE]  }
0x30: {  	s3 =	sld [smem:$0x3FB1]  }
0x31: {  	[smem:$0x3FBA] =	sst s10  }
0x32: {  	s10 =	sld [smem:$0x3FB8];
	_ =	sdelay $0x3  }
0x33: {  	p0 =	seq.s32 s10, $0x1;
	s10 =	sld [smem:$0x3FBA];
	_ =	sdelay $0x3  }
0x34: {  	[smem:$0x3FBA] =	sst s10  }
0x35: {  	s10 =	sld [smem:$0x3FB9];
	_ =	sdelay $0x3  }
0x36: {  	p1 =	seq.s32 s10, $0x1;
	s10 =	sld [smem:$0x3FBA];
	_ =	sdelay $0x3  }
0x37: {  	[smem:$0x3FBA] =	sst s10  }
0x38: {  	s10 =	sld [smem:$0x3FBB]  }
0x39: {  	_ = 	snop;
	(pc) =	sbr.ind lr, $3  }
0x3a: {  	_ = 	snop  }
0x3b: {  	_ = 	snop  }
0x3c: {  	p2 =	seq.s32 s10, $0x1;
	s10 =	sld [smem:$0x3FBA]  }
0x3d: {  	_ =	shalt  }
0x3e: {  	_ =	shalt  }
0x3f: {  	_ =	shalt  }
0x40: {  	_ =	shalt  }
0x41: {  	_ =	shalt  }
0x42: {  	_ =	shalt  }
0x43: {  	_ =	shalt  }
0x44: {  	_ =	shalt  }
0x45: {  	_ =	shalt  }
0x46: {  	_ =	shalt  }
0x47: {  	_ =	shalt  }
0x48: {  	_ =	shalt  }
0x49: {  	_ =	shalt  }
0x4a: {  	_ =	shalt  }
0x4b: {  	_ =	shalt  }
0x4c: {  	_ =	shalt  }
0x4d: {  	_ =	shalt  }
0x4e: {  	_ =	shalt  }
0x4f: {  	_ =	shalt  }
0x50: {  	_ =	shalt  }
0x51: {  	_ =	shalt  }
0x52: {  	_ =	shalt  }
0x53: {  	_ =	shalt  }
0x54: {  	_ =	shalt  }
0x55: {  	_ =	shalt  }
0x56: {  	_ =	shalt  }
0x57: {  	_ =	shalt  }
0x58: {  	_ =	shalt  }
0x59: {  	_ =	shalt  }
0x5a: {  	_ =	shalt  }
0x5b: {  	_ =	shalt  }
0x5c: {  	_ =	shalt  }
0x5d: {  	_ =	shalt  }
0x5e: {  	_ =	shalt  }
0x5f: {  	_ =	shalt  }
0x60: {  	_ =	shalt  }
0x61: {  	_ =	shalt  }
0x62: {  	_ =	shalt  }
0x63: {  	_ =	shalt  }
0x64: {  	_ =	shalt  }
0x65: {  	_ =	shalt  }
0x66: {  	_ =	shalt  }
0x67: {  	_ =	shalt  }
0x68: {  	_ =	shalt  }
0x69: {  	_ =	shalt  }
0x6a: {  	_ =	shalt  }
0x6b: {  	_ =	shalt  }
0x6c: {  	_ =	shalt  }
0x6d: {  	_ =	shalt  }
0x6e: {  	_ =	shalt  }
0x6f: {  	_ =	shalt  }
0x70: {  	_ =	shalt  }
0x71: {  	_ =	shalt  }
0x72: {  	_ =	shalt  }
0x73: {  	_ =	shalt  }
0x74: {  	_ =	shalt  }
0x75: {  	_ =	shalt  }
0x76: {  	_ =	shalt  }
0x77: {  	_ =	shalt  }
0x78: {  	_ =	shalt  }
0x79: {  	_ =	shalt  }
0x7a: {  	_ =	shalt  }
0x7b: {  	_ =	shalt  }
0x7c: {  	_ =	shalt  }
0x7d: {  	_ =	shalt  }
0x7e: {  	_ =	shalt  }
0x7f: {  	_ =	shalt  }
0x80: {  	_ =	shalt  }
0x81: {  	_ =	shalt  }
0x82: {  	_ =	shalt  }
0x83: {  	_ =	shalt  }
0x84: {  	_ =	shalt  }
0x85: {  	_ =	shalt  }
0x86: {  	_ =	shalt  }
0x87: {  	_ =	shalt  }
.Lfunc_end0:
.L_simem_size_0:
called_computation_lowered:
.L_overlay_start_0:
0x88: {  	s0 =	sld [smem:$0x3FD9]  }
0x89: {  	s1 =	sld [smem:$0x3FFE];
	_ =	sdelay $0x3  }
0x8a: {  	s0 =	sadd.s32 s1, s0  }
0x8b: {  	[smem:$0x3FC6] =	sst s0  }
0x8c: {  	_ = 	snop  }
0x8d: {  	s0 =	sld [smem:$0x3FD0];
	_ =	sdelay $0x1  }
0x8e: {  	s14 =	sld [smem:$0x3FC9]  }
0x8f: {  	s3 =	simm.s32 $0xA;
	s4 =	simm.s32 $0x10;
	s2 =	sld [smem:$0x3FC8]  }
0x90: {  	[smem:s4], [sflag:s3] =	dma.local [hbm:s0], $0x1  }
0x91: {  	_ =	swait.eq [sflag:s3], $0x1  }
0x92: {  	[sflag:s3] =	ssyncset.done $0x0  }
0x93: {  	s15 =	sld [smem:$0x10];
	[sflag:s3] =	ssyncadd.s32 $0xFFFFFFFF  }
0x94: {  	s16 =	sld [smem:$0x11];
	(tm) =	ssettm $0x1  }
0x95: {  	s17 =	sld [smem:$0x3FFB];
	_ =	sdelay $0x3  }
0x96: {  	_ =	strace s17  }
0x97: {  	s4 =	sld [smem:$0x3FFC];
	_ =	sdelay $0x3  }
0x98: {  	_ =	strace s4  }
0x99: {  	s4 =	sld [smem:$0x3FFD];
	_ =	sdelay $0x3  }
0x9a: {  	_ =	strace s4  }
0x9b: {  	_ =	strace $0x8FFFFFFF  }
0x9c: {  	s18 =	sld [smem:$0x3FDB];
	_ =	sdelay $0x1  }
0x9d: {  	s5 =	simm.s32 $_scs_section_size  }
0x9e: {  	s6 =	simm.s32 $_size__tile_overlayer_lowered;
	s7 =	simm.s32 $_tile_overlayer_lowered  }
0x9f: {  	s21 =	simm.s32 $0x1BFF;
	s20 =	sshll.u32 s7, $0x1;
	s4 =	sadd.s32 s5, s18  }
0xa0: {  	s8 =	simm.s32 $0x0;
	s19 =	sshll.u32 s6, $0x1;
	s6 =	sadd.s32 s20, s4  }
0xa1: {  	[timem:s8], [sflag:s21] =	dma.local [hbm:s6], s19  }
0xa2: {  	_ =	swait.ge [sflag:s21], s19  }
0xa3: {  	s5 =	ssub.s32 $0x0, s19;
	[sflag:s21] =	ssyncset.done $0x0  }
0xa4: {  	[sflag:s21] =	ssyncadd.s32 s5;
	_ =	sdelay $0x1  }
0xa5: {  	s22 =	simm.s32 $0x1B8B  }
0xa6: {  	_ =	swait.ge [sflag:s22], $0x1  }
0xa7: {  	[sflag:s22] =	ssyncset.done $0x0  }
0xa8: {  	s23 =	simm.s32 $0x1B8E;
	[sflag:s22] =	ssyncadd.s32 $0xFFFFFFFF  }
0xa9: {  	s24 =	simm.s32 $execute0_lowered;
	[smem:$0x3FD2] =	sst s23  }
0xaa: {  	s5 =	sshll.u32 s24, $0x1;
	_ =	strace $0x80000046;
	[dreg:$0x1] =	wrdreg $0xFFFFFFFF  }
0xab: {  	s25 =	simm.s32 $_size_execute0_lowered;
	s4 =	sadd.s32 s4, s5;
	[dreg:$0x0] =	wrdreg $0x0  }
0xac: {  	s5 =	sshll.u32 s25, $0x1;
	[dreg:$0x2] =	wrdreg s4  }
0xad: {  	[dreg:$0x3] =	wrdreg s5  }
0xae: {  	[dreg:$0x4] =	wrdreg $0xC0  }
0xaf: {  	_ =	task [dreg:s8], $0x5FFFF  }
0xb0: {  	[dreg:$0x1] =	wrdreg $0xFFFFFFFF  }
0xb1: {  	[dreg:$0x0] =	wrdreg $0x60  }
0xb2: {  	[dreg:$0x2] =	wrdreg s14  }
0xb3: {  	[dreg:$0x3] =	wrdreg s2  }
0xb4: {  	[dreg:$0x4] =	wrdreg s15  }
0xb5: {  	[dreg:$0x5] =	wrdreg s16  }
0xb6: {  	[dreg:$0x6] =	wrdreg $0x0  }
0xb7: {  	[dreg:$0x7] =	wrdreg $0x200  }
0xb8: {  	[dreg:$0x8] =	wrdreg $0x9  }
0xb9: {  	_ =	task.clear_ibuf [dreg:s8], $0x9FFFF;
	_ =	strace $0x90000046  }
0xba: {  	s26 =	simm.s32 $0x9;
	_ =	strace $0x80000048  }
0xbb: {  	_ =	swait.ge [sflag:s26], $0x1  }
0xbc: {  	[sflag:s26] =	ssyncadd.s32 $0xFFFFFFFF  }
0xbd: {  	_ =	strace $0x90000048  }
0xbe: {  	_ =	sfence  }
0xbf: {  	s28 =	sld [smem:$0x0];
	_ =	sdelay $0x1  }
0xc0: {  	s29 =	srdreg.scid  }
0xc1: {  	s30 =	sshll.u32 s29, $0xD;
	s31 =	sshrl.u32 s29, $0x2  }
0xc2: {  	s1 =	sand.u32 $0x1, s29;
	s2 =	sand.u32 $0x4000, s30;
	s0 =	sadd.s32 s31, s28  }
0xc3: {  	s1 =	sor.u32 s2, s1;
	s0 =	sshll.u32 s0, $0x11  }
0xc4: {  	s0 =	sor.u32 s0, s1  }
0xc5: {  	s0 =	sadd.s32 $0x8F2B, s0  }
0xc6: {  	[sflag:s0] =	ssyncadd.remote.s32 $0x1  }
0xc7: {  	_ =	sfence.sel $0xFFFF  }
0xc8: {  	[dreg:$0x0] =	wrdreg $0xFFFFFFFF;
	(pc) =	sbr.abs _section_cstart, $3  }
0xc9: {  	[dreg:$0x1] =	wrdreg $0xFFFFFFFF  }
0xca: {  	_ =	task.clear_ibuf [dreg:s8], $0x2FFFF;
	_ =	strace $0x9FFFFFFF  }
0xcb: {  	(tm) =	ssettm $0x7FFFFFFF  }
tec
execute0_lowered:
.L_overlay_start_1:
0x0: {  	(tag) =	ssettag $0x1  }
0x1: {  	s6 =	rddreg [dreg:$0x0]  }
0x2: {  	s7 =	rddreg [dreg:$0x1]  }
0x3: {  	s1 =	rddreg [dreg:$0x2]  }
0x4: {  	s2 =	rddreg [dreg:$0x3]  }
0x5: {  	s4 =	rddreg [dreg:$0x4]  }
0x6: {  	s3 =	rddreg [dreg:$0x5]  }
0x7: {  	s0 =	rddreg [dreg:$0x6];
	s8 =	simm.s32 $0x0;
	s5 =	stileid.u32  }
0x8: {  	[smem:$0x7FF] =	sst s8;
	s9 =	sshll.u32 s5, $0x2  }
0x9: {  	s26 =	simm.s32 $0x2C0;
	_ =	strace $0x80000047;
	s7 =	sadd.s32 s7, s9  }
0xa: {  	[tilespmem:s26], [sflag:$0x2] =	stream.linear.gather [hbm4b:s7+s8], $0x20, $0x38;
	[tilespmem:$0x3C0] =	vst v63  }
0xb: {  	s28 =	simm.s32 $0x40;
	s29 =	simm.s32 $0x1  }
0xc: {  	[tilespmem:s28], [sflag:$0x1] =	stream.linear.gather [hbm4b:s6+s8], $0x200, $0x38;
	[tilespmem:$0x3C0] =	vst v63  }
0xd: {  	_ =	swait.ge [sflag:s29], $0x200  }
0xe: {  	[sflag:s29] =	ssyncset.done $0x0  }
0xf: {  	[sflag:s29] =	ssyncadd.s32 $0xFFFFFE00  }
0x10: {  	v0 =	vld [tilespmem:$0x40];
	_ =	sdelay $0x4  }
0x11: {  	s30 =	sshll.u32 s5, $0x5;
	[tilespmem:$0x240] =	vst v0  }
0x12: {  	s31 =	simm.s32 $0x42;
	v7 =	vlaneseq.u32;
	v0 =	vld [tilespmem:s30+$0x40]  }
0x13: {  	v1 =	vor.u32 $0x10, v7;
	v5 =	vadd.s32 $0x4, v7;
	v6 =	vld [tilespmem:s31+$0xFFFFFFFF]  }
0x14: {  	v10 =	vand.u32 $0x1FF, v7;
	v11 =	vadd.s32 $0x2, v7;
	v12 =	vadd.s32 $0x3, v7;
	v8 =	vld [tilespmem:s31+$0x1]  }
0x15: {  	v2 =	vor.u32 s30, v7;
	v4 =	vor.u32 s30, v1;
	v1 =	vimm.s32 $0x0;
	v3 =	vld [tilespmem:s30+$0x50]  }
0x16: {  	v7 =	vadd.s32 $0x1, v7;
	v12 =	vand.u32 $0x1FF, v12;
	v62 =	vand.u32 $0x1FF, v11;
	v9 =	vld [tilespmem:s31+$0xFFFFFFFE]  }
0x17: {  	vm5 =	vlt.u32 v10, v2;
	v7 =	vand.u32 $0x1FF, v7;
	vm9 =	vlt.u32 v12, v4  }
0x18: {  	vm3 =	vlt.u32 v12, v2;
	vm15 =	vlt.u32 v62, v2;
	vm7 =	vlt.u32 v7, v2  }
0x19: {  	vm8 =	vlt.u32 v7, v4;
	vm4 =	vgt.f32 v6, v0;
	vm2 =	vgt.f32 v8, v0  }
0x1a: {  	v13 =	vld [tilespmem:s31+$0x0];
	vm1 =	veq.f32 v6, v0;
	vm6 =	veq.f32 v6, v3;
	vm0 =	vgt.f32 v8, v3  }
0x1b: {  	vm10 =	veq.f32 v9, v0;
	vm11 =	veq.f32 v9, v3;
	vm12 =	vgt.f32 v6, v3  }
0x1c: {  	vm13 =	vgt.f32 v9, v0;
	vm14 =	vgt.f32 v9, v3;
	vm6 =	vmand vm8, vm6  }
0x1d: {  	vm8 =	veq.f32 v8, v0;
	vm7 =	vmand vm7, vm1;
	vm5 =	vmand vm5, vm10  }
0x1e: {  	vm6 =	vmor vm12, vm6;
	vm12 =	veq.f32 v8, v3;
	vm4 =	vmor vm4, vm7  }
0x1f: {  	vm5 =	vmor vm13, vm5;
	vm7 =	vgt.f32 v13, v0;
	v7 =	vsel vm6, $0x1, v1  }
0x20: {  	vm1 =	vmand vm9, vm12;
	vm6 =	vlt.u32 v10, v4;
	vm12 =	vgt.f32 v13, v3  }
0x21: {  	v6 =	vsel vm4, $0x1, v1;
	vm4 =	veq.f32 v13, v3;
	v8 =	vsel vm5, $0x1, v1  }
0x22: {  	vm5 =	veq.f32 v13, v0;
	vm6 =	vmand vm6, vm11;
	v8 =	vadd.s32 v8, v1  }
0x23: {  	vm5 =	vmand vm15, vm5;
	vm6 =	vmor vm14, vm6;
	v6 =	vadd.s32 v6, v8  }
0x24: {  	vm5 =	vmor vm7, vm5;
	v63 =	vsel vm6, $0x1, v1;
	vm6 =	vlt.u32 v62, v4  }
0x25: {  	v10 =	vadd.s32 v63, v1;
	vm4 =	vmand vm6, vm4;
	vm6 =	vmand vm3, vm8  }
0x26: {  	s7 =	simm.s32 $0x0;
	s6 =	sadd.s32 $0x40, s30;
	s8 =	simm.s32 $0x46;
	v7 =	vadd.s32 v7, v10;
	vm3 =	vmor vm12, vm4;
	vm2 =	vmor vm2, vm6  }
.LBB2_1:
0x27: {  	v8 =	vld [tilespmem:s8+$0xFFFFFFFF];
	s7 =	sadd.s32 $0x4, s7;
	v9 =	vsel vm5, $0x1, v1;
	vm0 =	vmor vm0, vm1;
	v10 =	vsel vm2, $0x1, v1;
	v11 =	vmovc v5  }
0x28: {  	v12 =	vld [tilespmem:s8+$0x1];
	p0 =	slt.u32 s7, $0x1FC;
	v6 =	vadd.s32 v9, v6;
	v9 =	vsel vm3, $0x1, v1;
	v13 =	vsel vm0, $0x1, v1  }
0x29: {  	v14 =	vld [tilespmem:s8+$0x0];
	v7 =	vadd.s32 v9, v7;
	v6 =	vadd.s32 v10, v6  }
0x2a: {  	v5 =	vadd.s32 $0x4, v5;
	v9 =	vld [tilespmem:s8+$0xFFFFFFFE];
	v7 =	vadd.s32 v13, v7  }
0x2b: {  	v15 =	vadd.s32 $0x3, v11;
	v10 =	vand.u32 $0x1FF, v11;
	v13 =	vadd.s32 $0x2, v11  }
0x2c: {  	v15 =	vand.u32 $0x1FF, v15;
	v11 =	vadd.s32 $0x1, v11;
	vm5 =	vgt.f32 v8, v0  }
0x2d: {  	vm6 =	vlt.u32 v10, v2;
	v11 =	vand.u32 $0x1FF, v11;
	vm2 =	vgt.f32 v12, v0  }
0x2e: {  	vm1 =	veq.f32 v8, v0;
	vm4 =	veq.f32 v8, v3;
	vm0 =	vgt.f32 v12, v3  }
0x2f: {  	vm9 =	vlt.u32 v15, v4;
	vm7 =	vlt.u32 v11, v2;
	vm8 =	vlt.u32 v11, v4  }
0x30: {  	vm3 =	vlt.u32 v15, v2;
	vm10 =	veq.f32 v9, v0;
	vm11 =	veq.f32 v9, v3  }
0x31: {  	vm12 =	vgt.f32 v8, v3;
	vm8 =	vmand vm8, vm4;
	vm4 =	veq.f32 v12, v0  }
0x32: {  	vm8 =	vmor vm12, vm8;
	vm12 =	veq.f32 v12, v3;
	vm13 =	vgt.f32 v9, v0  }
0x33: {  	vm7 =	vmand vm7, vm1;
	v8 =	vsel vm8, $0x1, v1;
	vm1 =	vmand vm9, vm12  }
0x34: {  	vm8 =	vlt.u32 v10, v4;
	vm9 =	vgt.f32 v14, v3;
	vm6 =	vmand vm6, vm10  }
0x35: {  	vm5 =	vmor vm5, vm7;
	vm10 =	vgt.f32 v9, v3;
	vm8 =	vmand vm8, vm11  }
0x36: {  	vm7 =	veq.f32 v14, v3;
	v9 =	vsel vm5, $0x1, v1;
	vm6 =	vmor vm13, vm6  }
0x37: {  	v11 =	vand.u32 $0x1FF, v13;
	vm5 =	veq.f32 v14, v0;
	v10 =	vsel vm6, $0x1, v1  }
.Ltmp0:
0x38: {  	vm6 =	vmor vm10, vm8;
	vm8 =	vgt.f32 v14, v0;
	vm10 =	vlt.u32 v11, v2;
	(pc) =	sbr.rel @p0 .LBB2_1-.Ltmp0, $4  }
0x39: {  	v6 =	vadd.s32 v10, v6;
	v10 =	vsel vm6, $0x1, v1;
	vm5 =	vmand vm10, vm5  }
0x3a: {  	vm6 =	vlt.u32 v11, v4;
	v7 =	vadd.s32 v10, v7;
	v6 =	vadd.s32 v9, v6  }
0x3b: {  	vm4 =	vmand vm3, vm4;
	vm5 =	vmor vm8, vm5;
	vm6 =	vmand vm6, vm7  }
0x3c: {  	s8 =	sadd.s32 $0x4, s8;
	vm2 =	vmor vm2, vm4;
	v7 =	vadd.s32 v8, v7;
	vm3 =	vmor vm9, vm6  }
0x3d: {  	v0 =	vsel vm5, $0x1, v1;
	vm0 =	vmor vm0, vm1  }
0x3e: {  	v2 =	vsel vm2, $0x1, v1;
	v3 =	vsel vm3, $0x1, v1;
	v0 =	vadd.s32 v0, v6  }
0x3f: {  	v63 =	vsel vm0, $0x1, v1;
	v3 =	vadd.s32 v3, v7;
	v0 =	vadd.s32 v2, v0  }
0x40: {  	v1 =	vadd.s32 v63, v3;
	[tilespmem:$0x340] =	vst v0  }
0x41: {  	s7 =	simm.s32 $0x2;
	[tilespmem:$0x350] =	vst v1  }
0x42: {  	_ =	swait.ge [sflag:s7], $0x20  }
0x43: {  	[sflag:s7] =	ssyncset.done $0x0  }
0x44: {  	s29 =	simm.s32 $0x20;
	s8 =	simm.s32 $0x340;
	[sflag:s7] =	ssyncadd.s32 $0xFFFFFFE0  }
0x45: {  	[spmem:s4] =	stream.indirect.scatter [tilespmem:s6], [sflag:$0x1], $0x1, s8, s29, $0xb8;
	[tilespmem:$0x3C0] =	vst v63  }
0x46: {  	s30 =	simm.s32 $0x2C0;
	s31 =	simm.s32 $0x1  }
0x47: {  	[spmem:s3] =	stream.indirect.scatter [tilespmem:s30], [sflag:$0x1], $0x1, s8, s29, $0xb8;
	[tilespmem:$0x3C0] =	vst v63  }
0x48: {  	_ =	swait.ge [sflag:s31], $0x20  }
0x49: {  	[sflag:s31] =	ssyncset.done $0x0  }
0x4a: {  	[sflag:s31] =	ssyncadd.s32 $0xFFFFFFE0  }
0x4b: {  	_ =	swait.ge [sflag:s31], $0x20  }
0x4c: {  	[sflag:s31] =	ssyncset.done $0x0  }
0x4d: {  	[sflag:s31] =	ssyncadd.s32 $0xFFFFFFE0  }
0x4e: {  	p0 =	sne.s32 s5, $0x0;
	[bflag:$0x0] =	sbarrier.arrive $0xFFFF  }
0x4f: {  	_ =	sfence.sel @p0 $0x180000  }
0x50: {  	[bflag:$0x0] =	sbarrier.arrive @p0 $0xFFFF  }
0x51: {  	_ =	strace @p0 $0x90000047  }
0x52: {  	s5 =	simm.s32 @!p0 $0x1C01;
	s4 =	sshrl.u32 @!p0 s4, $0x3;
	[bflag:$0x2] =	sbarrier.arrive @p0 $0xFFFF  }
0x53: {  	[hbm:s2], [sflag:s5] =	dma.local @!p0 [spmem:s4], $0x40  }
0x54: {  	s2 =	sshrl.u32 @!p0 s3, $0x3  }
0x55: {  	[hbm:s1], [sflag:s5] =	dma.local @!p0 [spmem:s2], $0x40  }
0x56: {  	s1 =	simm.s32 @!p0 $0x1  }
0x57: {  	_ =	swait.ge @!p0 [sflag:s1], $0x40  }
0x58: {  	[sflag:s1] =	ssyncset.done @!p0 $0x0  }
0x59: {  	[sflag:s1] =	ssyncadd.s32 @!p0 $0xFFFFFFC0  }
0x5a: {  	_ =	swait.ge @!p0 [sflag:s1], $0x40  }
0x5b: {  	[sflag:s1] =	ssyncset.done @!p0 $0x0  }
0x5c: {  	[sflag:s1] =	ssyncadd.s32 @!p0 $0xFFFFFFC0  }
0x5d: {  	_ =	sfence.sel @!p0 $0x180000  }
0x5e: {  	[bflag:$0x0] =	sbarrier.arrive @!p0 $0xFFFF  }
0x5f: {  	_ =	strace @!p0 $0x90000047  }
0x60: {  	s0 =	sadd.s32 @!p0 $0x100000, s0;
	[bflag:$0x2] =	sbarrier.arrive @!p0 $0xFFFF  }
0x61: {  	[sflag:s0] =	ssyncadd.tile.s32 @!p0 $0x1;
	_ =	shalt  }
.Lfunc_end2:
_tile_overlayer_lowered:
.L_overlay_start_2:
0x62: {  	(tag) =	ssettag $0x2  }
0x63: {  	s0 =	rddreg [dreg:$0x0];
	s2 =	stileid.u32  }
0x64: {  	s1 =	rddreg [dreg:$0x1];
	p0 =	sne.s32 s2, $0x0  }
0x65: {  	s3 =	rddreg [dreg:$0x2];
	[bflag:$0x3] =	sbarrier.arrive $0xFFFF;
	s2 =	simm.s32 @!p0 $0x1C03  }
0x66: {  	[timem:s3], [sflag:s2] =	dma.local @!p0 [hbm:s0], s1  }
0x67: {  	s0 =	simm.s32 @!p0 $0x3  }
0x68: {  	_ =	swait.ge @!p0 [sflag:s0], s1  }
0x69: {  	s1 =	ssub.s32 @!p0 $0x0, s1;
	[sflag:s0] =	ssyncset.done @!p0 $0x0  }
0x6a: {  	[sflag:s0] =	ssyncadd.s32 @!p0 s1  }
0x6b: {  	[bflag:$0x3] =	sbarrier.arrive $0xFFFF  }
0x6c: {  	_ =	shalt  }

</sc_bundles>
